<compile_context>
chip_gen: v7x
topology: tpu7x:2x2x1
jax: 0.10.2.dev20260603
libtpu: 0.0.44.dev20260713+nightly
codegen_flags: <defaults>
</compile_context>

<pallas_src>
import functools
import math

import jax
import jax.numpy as jnp
from jax.experimental import pallas as pl
from jax.experimental.pallas import tpu as pltpu
from jax.experimental.pallas import tpu_sc as plsc

B = 8
N = 256
D = 128
N_RBF = 20
RBF_PAD = 24
CUTOFF = 5.0
T = 128
NL = 3
LN2 = math.log(2.0)

_width = CUTOFF / (N_RBF - 1)
_COEFF = -0.5 / (_width * _width)
_SCALE = math.sqrt(-_COEFF)


def _ssp(v):
    vc = jnp.minimum(v, 40.0)
    return jnp.log(1.0 + jnp.exp(vc)) - LN2


def _dist(ra, rb):
    dims = (((1,), (1,)), ((), ()))
    prod = jax.lax.dot_general(ra, rb, dims, preferred_element_type=jnp.float32)
    ra2 = jnp.sum(ra * ra, axis=1, keepdims=True)
    rb2 = jax.lax.dot_general(jnp.ones((1, 8), jnp.float32), rb * rb, dims,
                              preferred_element_type=jnp.float32)
    d2 = ra2 + rb2 - 2.0 * prod
    return jnp.sqrt(jnp.maximum(d2, 0.0) + 1e-12)


def _rcut(d):
    return jnp.where(d < CUTOFF,
                     0.5 * (jnp.cos(d * (math.pi / CUTOFF)) + 1.0), 0.0)


def _filter_w3(d, offs, w_f1, b_f1, w_f2, b_f2):
    ds3 = (d * _SCALE).reshape(T, 1, T)
    delta = ds3 - offs
    f3 = jnp.exp(-(delta * delta))
    w1b = jnp.broadcast_to(w_f1[None], (T, RBF_PAD, D))
    t13 = jax.lax.dot_general(f3, w1b, (((1,), (1,)), ((0,), (0,))),
                              preferred_element_type=jnp.float32)
    t1 = _ssp(t13.reshape(T * T, D) + b_f1)
    w = jnp.dot(t1, w_f2, preferred_element_type=jnp.float32)
    return (w + b_f2).reshape(T, T, D)


def _layer_body(x_ref, rp_ref, offs_ref, w_in_ref, b_in_ref,
                w_f1_ref, b_f1_ref, w_f2_ref, b_f2_ref,
                w_o1_ref, b_o1_ref, w_o2_ref, b_o2_ref,
                y_ref, acc_ref, h_ref, xs_ref):
    l = pl.program_id(0)
    b = pl.program_id(1)
    t = pl.program_id(2)
    fargs = (offs_ref[...], w_f1_ref[0], b_f1_ref[0], w_f2_ref[0], b_f2_ref[0])
    xb = pl.ds(b * N, N)

    @pl.when(t == 0)
    def _packed_diag():
        @pl.when(l == 0)
        def _seed():
            xs_ref[xb, :] = x_ref[0]

        h_ref[...] = jnp.dot(xs_ref[xb, :], w_in_ref[0],
                             preferred_element_type=jnp.float32) + b_in_ref[0]
        r0 = rp_ref[0, 0]
        r1 = rp_ref[0, 1]
        d00 = _dist(r0, r0)
        d11 = _dist(r1, r1)
        pp = jax.lax.broadcasted_iota(jnp.int32, (T, T), 0)
        qq = jax.lax.broadcasted_iota(jnp.int32, (T, T), 1)
        d = jnp.where(qq > pp, d00, d11)
        rc = _rcut(d)
        rc_u = jnp.where(qq > pp, rc, 0.0)
        rc_l = jnp.where(qq < pp, rc, 0.0)
        w3 = _filter_w3(d, *fargs)
        h0 = h_ref[0:T, :]
        h1 = h_ref[T:N, :]
        msg_u = jax.lax.dot_general(rc_u, w3 * h0[None, :, :],
                                    (((1,), (1,)), ((0,), (0,))),
                                    preferred_element_type=jnp.float32)
        msg_l = jnp.sum(w3 * (rc_l[:, :, None] * h1[:, None, :]), axis=0)
        acc_ref[0:T, :] = msg_u
        acc_ref[T:N, :] = msg_l

    @pl.when(t == 1)
    def _offdiag():
        r0 = rp_ref[0, 0]
        r1 = rp_ref[0, 1]
        d = _dist(r0, r1)
        rc = _rcut(d)
        w3 = _filter_w3(d, *fargs)
        h1 = h_ref[T:N, :]
        msg = jax.lax.dot_general(rc, w3 * h1[None, :, :],
                                  (((1,), (1,)), ((0,), (0,))),
                                  preferred_element_type=jnp.float32)
        acc_ref[0:T, :] = acc_ref[0:T, :] + msg
        agg = acc_ref[...]
        o = _ssp(jnp.dot(agg, w_o1_ref[0], preferred_element_type=jnp.float32)
                 + b_o1_ref[0])
        out = jnp.dot(o, w_o2_ref[0], preferred_element_type=jnp.float32) \
            + b_o2_ref[0]
        xnew = xs_ref[xb, :] + out
        xs_ref[xb, :] = xnew

        @pl.when(l == NL - 1)
        def _emit():
            y_ref[0, :, :] = xnew


def _interactions(x, rp, ws, offs):
    wspec = pl.BlockSpec((1, D, D), lambda l, b, t: (l, 0, 0))
    bspec = pl.BlockSpec((1, 1, D), lambda l, b, t: (l, 0, 0))
    return pl.pallas_call(
        _layer_body,
        grid=(NL, B, 2),
        in_specs=[
            pl.BlockSpec((1, N, D), lambda l, b, t: (b, 0, 0)),
            pl.BlockSpec((1, 2, T, 8), lambda l, b, t: (b, 0, 0, 0)),
            pl.BlockSpec((1, RBF_PAD, 1), lambda l, b, t: (0, 0, 0)),
            wspec, bspec,
            pl.BlockSpec((1, RBF_PAD, D), lambda l, b, t: (l, 0, 0)), bspec,
            wspec, bspec,
            wspec, bspec,
            wspec, bspec,
        ],
        out_specs=pl.BlockSpec((1, N, D), lambda l, b, t: (b, 0, 0)),
        out_shape=jax.ShapeDtypeStruct((B, N, D), jnp.float32),
        scratch_shapes=[pltpu.VMEM((N, D), jnp.float32),
                        pltpu.VMEM((N, D), jnp.float32),
                        pltpu.VMEM((B * N, D), jnp.float32)],
    )(x, rp, offs, *ws)


def _embed_gather_sc(emb, zflat):
    info = plsc.get_sparse_core_info()
    nw = info.num_cores * info.num_subcores
    btot = zflat.shape[0]
    bpw = btot // nw
    mesh = plsc.VectorSubcoreMesh(core_axis_name="c", subcore_axis_name="s")

    @functools.partial(
        pl.kernel, mesh=mesh,
        out_type=jax.ShapeDtypeStruct((btot, D), jnp.float32),
        scratch_types=[
            pltpu.VMEM((bpw,), jnp.int32),
            pltpu.VMEM((bpw, D), jnp.float32),
            pltpu.SemaphoreType.DMA,
        ],
    )
    def gather_k(table_hbm, idx_hbm, out_hbm, idx_v, rows_v, sem):
        wid = jax.lax.axis_index("s") * info.num_cores + jax.lax.axis_index("c")
        base = wid * bpw
        pltpu.sync_copy(idx_hbm.at[pl.ds(base, bpw)], idx_v)
        pltpu.async_copy(table_hbm.at[idx_v], rows_v, sem).wait()
        pltpu.sync_copy(rows_v, out_hbm.at[pl.ds(base, bpw)])

    return gather_k(emb, zflat)


def kernel(Z, R, emb, params):
    x = _embed_gather_sc(emb.astype(jnp.float32),
                         Z.reshape(-1).astype(jnp.int32)).reshape(B, N, D)
    rp = jnp.zeros((B, N, 8), jnp.float32).at[:, :, :3].set(R)
    rp = rp.reshape(B, 2, T, 8)
    ar = jnp.arange(RBF_PAD)
    offs = jnp.where(ar < N_RBF, ar * (_width * _SCALE), 1e6).astype(
        jnp.float32).reshape(1, RBF_PAD, 1)
    stack = lambda k: jnp.stack([p[k] for p in params])
    bstack = lambda k: jnp.stack([p[k].reshape(1, D) for p in params])
    wf1p = jnp.stack([
        jnp.zeros((RBF_PAD, D), jnp.float32).at[:N_RBF].set(p['w_f1'])
        for p in params])
    ws = (stack('w_in'), bstack('b_in'), wf1p, bstack('b_f1'),
          stack('w_f2'), bstack('b_f2'), stack('w_o1'), bstack('b_o1'),
          stack('w_o2'), bstack('b_o2'))
    return _interactions(x, rp, ws, offs)

# --- scband reference (transcript-rebuilt; emitter-appended) ---
"""Pipeline reference for scband-sch-net-representation-67654324846791 (READ-ONLY COPY).

The authoritative reference and input builder live on the scoring server;
editing this copy changes nothing except your own understanding.
"""

import jax, jax.numpy as jnp
import numpy as np

B = 8
N = 256
N_ATOM_BASIS = 128
N_FILTERS = 128
N_INTERACTIONS = 3
N_RBF = 20
CUTOFF = 5.0


def ssp(x):
    # ShiftedSoftplus
    return jax.nn.softplus(x) - jnp.log(2.0)


def _pair_indices():
    iu0, iu1 = np.triu_indices(N, k=1)
    offs = (np.arange(B) * N)[:, None]
    idx_i = (iu0[None, :] + offs).reshape(-1)
    idx_j = (iu1[None, :] + offs).reshape(-1)
    return jnp.asarray(idx_i, dtype=jnp.int32), jnp.asarray(idx_j, dtype=jnp.int32)


def setup_inputs(seed: int = 0) -> dict:
    key = jax.random.key(seed)
    ks = jax.random.split(key, 64)
    Z = jax.random.randint(ks[0], (B, N), 0, 100)
    R = jax.random.normal(ks[1], (B, N, 3), dtype=jnp.float32)
    emb = jax.random.normal(ks[2], (100, N_ATOM_BASIS), dtype=jnp.float32) * 0.05
    params = []
    k = 3
    for _ in range(N_INTERACTIONS):
        p = {
            'w_in': jax.random.normal(ks[k + 0], (N_ATOM_BASIS, N_FILTERS), dtype=jnp.float32) * 0.05,
            'b_in': jnp.zeros((N_FILTERS,), dtype=jnp.float32),
            'w_f1': jax.random.normal(ks[k + 1], (N_RBF, N_FILTERS), dtype=jnp.float32) * 0.05,
            'b_f1': jnp.zeros((N_FILTERS,), dtype=jnp.float32),
            'w_f2': jax.random.normal(ks[k + 2], (N_FILTERS, N_FILTERS), dtype=jnp.float32) * 0.05,
            'b_f2': jnp.zeros((N_FILTERS,), dtype=jnp.float32),
            'w_o1': jax.random.normal(ks[k + 3], (N_FILTERS, N_ATOM_BASIS), dtype=jnp.float32) * 0.05,
            'b_o1': jnp.zeros((N_ATOM_BASIS,), dtype=jnp.float32),
            'w_o2': jax.random.normal(ks[k + 4], (N_ATOM_BASIS, N_ATOM_BASIS), dtype=jnp.float32) * 0.05,
            'b_o2': jnp.zeros((N_ATOM_BASIS,), dtype=jnp.float32),
        }
        params.append(p)
        k += 5
    return {'Z': Z, 'R': R, 'emb': emb, 'params': params}


def _interaction(x, f_ij, idx_i, idx_j, rcut_ij, p):
    bsz, natoms = x.shape[0], x.shape[1]
    h = x @ p['w_in'] + p['b_in']
    h = h.reshape(bsz * natoms, N_FILTERS)
    # filter network: Linear -> SSP -> Linear
    Wij = ssp(f_ij @ p['w_f1'] + p['b_f1']) @ p['w_f2'] + p['b_f2']
    Wij = Wij * rcut_ij[:, None]
    x_j = h[idx_j]
    x_ij = x_j * Wij
    agg = jnp.zeros((bsz * natoms, N_FILTERS), dtype=h.dtype).at[idx_i].add(x_ij)
    out = ssp(agg @ p['w_o1'] + p['b_o1']) @ p['w_o2'] + p['b_o2']
    return out.reshape(bsz, natoms, N_ATOM_BASIS)


def reference(Z, R, emb, params):
    idx_i, idx_j = _pair_indices()
    coords = R.reshape(-1, 3)
    vec = coords[idx_i] - coords[idx_j]
    d_ij = jnp.sqrt(jnp.sum(vec * vec, axis=-1) + 1e-12)
    # GaussianRBF(n_rbf=20, cutoff=5.0)
    offsets = jnp.linspace(0.0, CUTOFF, N_RBF)
    width = offsets[1] - offsets[0]
    coeff = -0.5 / (width * width)
    f_ij = jnp.exp(coeff * (d_ij[:, None] - offsets[None, :]) ** 2)
    # cosine cutoff (also emulates neighbor selection: pairs beyond cutoff contribute 0)
    within = (d_ij < CUTOFF).astype(jnp.float32)
    rcut_ij = 0.5 * (jnp.cos(d_ij * jnp.pi / CUTOFF) + 1.0) * within
    x = emb[Z]
    for p in params:
        v = _interaction(x, f_ij, idx_i, idx_j, rcut_ij, p)
        x = x + v
    return x

if __name__ == "__main__":
    import jax
    _d = setup_inputs()
    print(jax.jit(kernel)(*tuple(_d.values())))

</pallas_src>

<mosaic_0001>
#map = affine_map<(d0, d1) -> (0, 0)>
#map1 = affine_map<(d0, d1) -> (0)>
module attributes {stable_mosaic.version = 14 : i64} {
  func.func @gather_k(%arg0: i32, %arg1: i32, %arg2: memref<100x128xf32, #tpu.memory_space<hbm>>, %arg3: memref<2048xi32, #tpu.memory_space<hbm>>, %arg4: memref<2048x128xf32, #tpu.memory_space<hbm>>, %arg5: memref<64xi32, #tpu.memory_space<vmem>>, %arg6: memref<64x128xf32, #tpu.memory_space<vmem>>, %arg7: memref<!tpu.dma_semaphore, #tpu.memory_space<semaphore_mem>>) attributes {dimension_semantics = [#tpu.dimension_semantics<core_parallel>, #tpu.dimension_semantics<subcore_parallel>], iteration_bounds = array<i64: 2, 16>, scalar_prefetch = 0 : i64, scratch_operands = 3 : i64, tpu.core_type = #tpu.core_type<sc_vector_subcore>, window_params = [{transform_indices = #map}, {transform_indices = #map1}, {transform_indices = #map}]} {
    %mul3A = arith.constant 2 : i32
    %mul3A_0 = arith.muli %arg1, %mul3A : i32
    %add3A = arith.addi %mul3A_0, %arg0 : i32
    %mul3A_1 = arith.constant 64 : i32
    %mul3A_2 = arith.muli %add3A, %mul3A_1 : i32
    "tpu.region"() ({
      %run_scoped3A = tpu.sem_alloc : memref<!tpu.dma_semaphore, #tpu.memory_space<semaphore_mem>>
      %dma_start3A_7 = tpu.memref_slice %arg3[%mul3A_2] : memref<2048xi32, #tpu.memory_space<hbm>> -> memref<64xi32, #tpu.memory_space<hbm>>
      %dma_start3A_8 = tpu.memref_slice %arg3[%mul3A_2] : memref<2048xi32, #tpu.memory_space<hbm>> -> memref<64xi32, #tpu.memory_space<hbm>>
      tpu.enqueue_dma source(%dma_start3A_8 : memref<64xi32, #tpu.memory_space<hbm>>) target(%arg5 : memref<64xi32, #tpu.memory_space<vmem>>) target_semaphore(%run_scoped3A : memref<!tpu.dma_semaphore, #tpu.memory_space<semaphore_mem>>)
      %dma_wait3A_9 = tpu.memref_slice %arg3[%mul3A_2] : memref<2048xi32, #tpu.memory_space<hbm>> -> memref<64xi32, #tpu.memory_space<hbm>>
      %dma_wait3A_10 = tpu.memref_slice %arg3[%mul3A_2] : memref<2048xi32, #tpu.memory_space<hbm>> -> memref<64xi32, #tpu.memory_space<hbm>>
      tpu.wait_dma2 semaphore(%run_scoped3A : memref<!tpu.dma_semaphore, #tpu.memory_space<semaphore_mem>>) src(%dma_wait3A_10 : memref<64xi32, #tpu.memory_space<hbm>>) dst(%arg5 : memref<64xi32, #tpu.memory_space<vmem>>)
      tpu.yield
    }) : () -> ()
    %dma_start3A = arith.constant 0 : i32
    %dma_start3A_3 = arith.constant 0 : i32
    %dma_start3A_4 = tpu.memref_slice %arg2[%dma_start3A, %dma_start3A_3] : memref<100x128xf32, #tpu.memory_space<hbm>> -> memref<100x128xf32, #tpu.memory_space<hbm>>
    tpu.enqueue_indirect_dma source(%dma_start3A_4 : memref<100x128xf32, #tpu.memory_space<hbm>>) target(%arg6 : memref<64x128xf32, #tpu.memory_space<vmem>>) offsets(%arg5 : memref<64xi32, #tpu.memory_space<vmem>>) semaphore(%arg7 : memref<!tpu.dma_semaphore, #tpu.memory_space<semaphore_mem>>)
    %dma_wait3A = arith.constant 0 : i32
    %dma_wait3A_5 = arith.constant 0 : i32
    %dma_wait3A_6 = tpu.memref_slice %arg2[%dma_wait3A, %dma_wait3A_5] : memref<100x128xf32, #tpu.memory_space<hbm>> -> memref<100x128xf32, #tpu.memory_space<hbm>>
    tpu.wait_indirect_dma semaphore(%arg7 : memref<!tpu.dma_semaphore, #tpu.memory_space<semaphore_mem>>) src(%dma_wait3A_6 : memref<100x128xf32, #tpu.memory_space<hbm>>) dst(%arg6 : memref<64x128xf32, #tpu.memory_space<vmem>>)
    "tpu.region"() ({
      %run_scoped3A = tpu.sem_alloc : memref<!tpu.dma_semaphore, #tpu.memory_space<semaphore_mem>>
      %dma_start3A_7 = arith.constant 0 : i32
      %dma_start3A_8 = tpu.memref_slice %arg4[%mul3A_2, %dma_start3A_7] : memref<2048x128xf32, #tpu.memory_space<hbm>> -> memref<64x128xf32, #tpu.memory_space<hbm>>
      %dma_start3A_9 = arith.constant 0 : i32
      %dma_start3A_10 = tpu.memref_slice %arg4[%mul3A_2, %dma_start3A_9] : memref<2048x128xf32, #tpu.memory_space<hbm>> -> memref<64x128xf32, #tpu.memory_space<hbm>>
      tpu.enqueue_dma source(%arg6 : memref<64x128xf32, #tpu.memory_space<vmem>>) target(%dma_start3A_10 : memref<64x128xf32, #tpu.memory_space<hbm>>) target_semaphore(%run_scoped3A : memref<!tpu.dma_semaphore, #tpu.memory_space<semaphore_mem>>)
      %dma_wait3A_11 = arith.constant 0 : i32
      %dma_wait3A_12 = tpu.memref_slice %arg4[%mul3A_2, %dma_wait3A_11] : memref<2048x128xf32, #tpu.memory_space<hbm>> -> memref<64x128xf32, #tpu.memory_space<hbm>>
      %dma_wait3A_13 = arith.constant 0 : i32
      %dma_wait3A_14 = tpu.memref_slice %arg4[%mul3A_2, %dma_wait3A_13] : memref<2048x128xf32, #tpu.memory_space<hbm>> -> memref<64x128xf32, #tpu.memory_space<hbm>>
      tpu.wait_dma2 semaphore(%run_scoped3A : memref<!tpu.dma_semaphore, #tpu.memory_space<semaphore_mem>>) src(%arg6 : memref<64x128xf32, #tpu.memory_space<vmem>>) dst(%dma_wait3A_14 : memref<64x128xf32, #tpu.memory_space<hbm>>)
      tpu.yield
    }) : () -> ()
    return
  }
}

module attributes {stable_mosaic.version = 14 : i64} {
  func.func @_layer_body(%arg0: i32, %arg1: i32, %arg2: i32, %arg3: memref<1x256x128xf32, #tpu.memory_space<vmem>>, %arg4: memref<1x2x128x8xf32, #tpu.memory_space<vmem>>, %arg5: memref<1x24x1xf32, #tpu.memory_space<vmem>>, %arg6: memref<1x128x128xf32, #tpu.memory_space<vmem>>, %arg7: memref<1x1x128xf32, #tpu.memory_space<vmem>>, %arg8: memref<1x24x128xf32, #tpu.memory_space<vmem>>, %arg9: memref<1x1x128xf32, #tpu.memory_space<vmem>>, %arg10: memref<1x128x128xf32, #tpu.memory_space<vmem>>, %arg11: memref<1x1x128xf32, #tpu.memory_space<vmem>>, %arg12: memref<1x128x128xf32, #tpu.memory_space<vmem>>, %arg13: memref<1x1x128xf32, #tpu.memory_space<vmem>>, %arg14: memref<1x128x128xf32, #tpu.memory_space<vmem>>, %arg15: memref<1x1x128xf32, #tpu.memory_space<vmem>>, %arg16: memref<1x256x128xf32, #tpu.memory_space<vmem>>, %arg17: memref<256x128xf32, #tpu.memory_space<vmem>>, %arg18: memref<256x128xf32, #tpu.memory_space<vmem>>, %arg19: memref<2048x128xf32, #tpu.memory_space<vmem>>) attributes {dimension_semantics = [#tpu.dimension_semantics<arbitrary>, #tpu.dimension_semantics<arbitrary>, #tpu.dimension_semantics<arbitrary>], iteration_bounds = array<i64: 3, 8, 2>, scalar_prefetch = 0 : i64, scratch_operands = 3 : i64, tpu.core_type = #tpu.core_type<tc>, window_params = [{transform_indices = @transform_0, window_bounds = array<i64: 1, 256, 128>}, {transform_indices = @transform_1, window_bounds = array<i64: 1, 2, 128, 8>}, {pipeline_mode = #tpu.pipeline_mode<synchronous>, transform_indices = @transform_2, window_bounds = array<i64: 1, 24, 1>}, {transform_indices = @transform_3, window_bounds = array<i64: 1, 128, 128>}, {transform_indices = @transform_4, window_bounds = array<i64: 1, 1, 128>}, {transform_indices = @transform_5, window_bounds = array<i64: 1, 24, 128>}, {transform_indices = @transform_6, window_bounds = array<i64: 1, 1, 128>}, {transform_indices = @transform_7, window_bounds = array<i64: 1, 128, 128>}, {transform_indices = @transform_8, window_bounds = array<i64: 1, 1, 128>}, {transform_indices = @transform_9, window_bounds = array<i64: 1, 128, 128>}, {transform_indices = @transform_10, window_bounds = array<i64: 1, 1, 128>}, {transform_indices = @transform_11, window_bounds = array<i64: 1, 128, 128>}, {transform_indices = @transform_12, window_bounds = array<i64: 1, 1, 128>}, {transform_indices = @transform_13, window_bounds = array<i64: 1, 256, 128>}]} {
    %get3A = arith.constant 0 : index
    %get3A_0 = arith.constant 0 : index
    %get3A_1 = arith.constant 0 : index
    %get3A_2 = vector.load %arg5[%get3A, %get3A_0, %get3A_1] : memref<1x24x1xf32, #tpu.memory_space<vmem>>, vector<1x24x1xf32>
    %get3A_3 = arith.constant 0 : index
    %get3A_4 = arith.constant 0 : index
    %get3A_5 = arith.constant 0 : index
    %get3A_6 = vector.load %arg8[%get3A_3, %get3A_4, %get3A_5] : memref<1x24x128xf32, #tpu.memory_space<vmem>>, vector<1x24x128xf32>
    %get3A_7 = vector.shape_cast %get3A_6 : vector<1x24x128xf32> to vector<24x128xf32>
    %get3A_8 = arith.constant 0 : index
    %get3A_9 = arith.constant 0 : index
    %get3A_10 = arith.constant 0 : index
    %get3A_11 = vector.load %arg9[%get3A_8, %get3A_9, %get3A_10] : memref<1x1x128xf32, #tpu.memory_space<vmem>>, vector<1x1x128xf32>
    %get3A_12 = vector.shape_cast %get3A_11 : vector<1x1x128xf32> to vector<1x128xf32>
    %get3A_13 = arith.constant 0 : index
    %get3A_14 = arith.constant 0 : index
    %get3A_15 = arith.constant 0 : index
    %get3A_16 = vector.load %arg10[%get3A_13, %get3A_14, %get3A_15] : memref<1x128x128xf32, #tpu.memory_space<vmem>>, vector<1x128x128xf32>
    %get3A_17 = vector.shape_cast %get3A_16 : vector<1x128x128xf32> to vector<128x128xf32>
    %get3A_18 = arith.constant 0 : index
    %get3A_19 = arith.constant 0 : index
    %get3A_20 = arith.constant 0 : index
    %get3A_21 = vector.load %arg11[%get3A_18, %get3A_19, %get3A_20] : memref<1x1x128xf32, #tpu.memory_space<vmem>>, vector<1x1x128xf32>
    %get3A_22 = vector.shape_cast %get3A_21 : vector<1x1x128xf32> to vector<1x128xf32>
    %mul3A = arith.constant 256 : i32
    %mul3A_23 = arith.muli %arg1, %mul3A : i32
    %eq3A = arith.constant 0 : i32
    %eq3A_24 = arith.cmpi eq, %arg2, %eq3A : i32
    %convert_element_type3A = arith.extui %eq3A_24 : i1 to i32
    %cond3A = arith.constant 0 : i32
    %cond3A_25 = arith.cmpi ne, %convert_element_type3A, %cond3A : i32
    scf.if %cond3A_25 {
      %eq3A_31 = arith.constant 0 : i32
      %eq3A_32 = arith.cmpi eq, %arg0, %eq3A_31 : i32
      %convert_element_type3A_33 = arith.extui %eq3A_32 : i1 to i32
      %cond3A_34 = arith.constant 0 : i32
      %cond3A_35 = arith.cmpi ne, %convert_element_type3A_33, %cond3A_34 : i32
      scf.if %cond3A_35 {
        %get3A_188 = arith.constant 0 : index
        %get3A_189 = arith.constant 0 : index
        %get3A_190 = arith.constant 0 : index
        %get3A_191 = vector.load %arg3[%get3A_188, %get3A_189, %get3A_190] : memref<1x256x128xf32, #tpu.memory_space<vmem>>, vector<1x256x128xf32>
        %get3A_192 = vector.shape_cast %get3A_191 : vector<1x256x128xf32> to vector<256x128xf32>
        %swap3A_193 = arith.index_cast %mul3A_23 : i32 to index
        %swap3A_194 = arith.constant 0 : index
        %swap3A_195 = vector.load %arg19[%swap3A_193, %swap3A_194] : memref<2048x128xf32, #tpu.memory_space<vmem>>, vector<256x128xf32>
        tpu.vector_store %arg19[%swap3A_193, %swap3A_194], %get3A_192 {strides = array<i32>} : memref<2048x128xf32, #tpu.memory_space<vmem>>, vector<256x128xf32>,
      } else {
      }
      %get3A_36 = arith.index_cast %mul3A_23 : i32 to index
      %get3A_37 = arith.constant 0 : index
      %get3A_38 = vector.load %arg19[%get3A_36, %get3A_37] : memref<2048x128xf32, #tpu.memory_space<vmem>>, vector<256x128xf32>
      %get3A_39 = arith.constant 0 : index
      %get3A_40 = arith.constant 0 : index
      %get3A_41 = arith.constant 0 : index
      %get3A_42 = vector.load %arg6[%get3A_39, %get3A_40, %get3A_41] : memref<1x128x128xf32, #tpu.memory_space<vmem>>, vector<1x128x128xf32>
      %get3A_43 = vector.shape_cast %get3A_42 : vector<1x128x128xf32> to vector<128x128xf32>
      %dot_general3A = arith.constant dense<0.000000e+00> : vector<256x128xf32>
      %dot_general3A_44 = tpu.matmul %get3A_38, %get3A_43, %dot_general3A {dimension_numbers = #tpu.dot_dimension_numbers<[1], [0], [0], [1], [0, 0, 1, 1], [], []>, transpose_lhs_hint = false} : vector<256x128xf32>, vector<128x128xf32>, vector<256x128xf32> -> vector<256x128xf32>
      %get3A_45 = arith.constant 0 : index
      %get3A_46 = arith.constant 0 : index
      %get3A_47 = arith.constant 0 : index
      %get3A_48 = vector.load %arg7[%get3A_45, %get3A_46, %get3A_47] : memref<1x1x128xf32, #tpu.memory_space<vmem>>, vector<1x1x128xf32>
      %get3A_49 = vector.shape_cast %get3A_48 : vector<1x1x128xf32> to vector<1x128xf32>
      %add3A = vector.broadcast %get3A_49 : vector<1x128xf32> to vector<256x128xf32>
      %add3A_50 = arith.addf %dot_general3A_44, %add3A : vector<256x128xf32>
      %swap3A = arith.constant 0 : index
      %swap3A_51 = arith.constant 0 : index
      %swap3A_52 = vector.load %arg18[%swap3A, %swap3A_51] : memref<256x128xf32, #tpu.memory_space<vmem>>, vector<256x128xf32>
      tpu.vector_store %arg18[%swap3A, %swap3A_51], %add3A_50 {strides = array<i32>} : memref<256x128xf32, #tpu.memory_space<vmem>>, vector<256x128xf32>,
      %get3A_53 = arith.constant 0 : index
      %get3A_54 = arith.constant 0 : index
      %get3A_55 = arith.constant 0 : index
      %get3A_56 = arith.constant 0 : index
      %get3A_57 = vector.load %arg4[%get3A_53, %get3A_54, %get3A_55, %get3A_56] : memref<1x2x128x8xf32, #tpu.memory_space<vmem>>, vector<1x1x128x8xf32>
      %get3A_58 = vector.shape_cast %get3A_57 : vector<1x1x128x8xf32> to vector<128x8xf32>
      %get3A_59 = arith.constant 0 : index
      %get3A_60 = arith.constant 1 : index
      %get3A_61 = arith.constant 0 : index
      %get3A_62 = arith.constant 0 : index
      %get3A_63 = vector.load %arg4[%get3A_59, %get3A_60, %get3A_61, %get3A_62] : memref<1x2x128x8xf32, #tpu.memory_space<vmem>>, vector<1x1x128x8xf32>
      %get3A_64 = vector.shape_cast %get3A_63 : vector<1x1x128x8xf32> to vector<128x8xf32>
      %dot_general3A_65 = arith.constant dense<0.000000e+00> : vector<128x128xf32>
      %dot_general3A_66 = tpu.matmul %get3A_58, %get3A_58, %dot_general3A_65 {dimension_numbers = #tpu.dot_dimension_numbers<[1], [1], [0], [0], [0, 0, 1, 0], [], []>, transpose_lhs_hint = false} : vector<128x8xf32>, vector<128x8xf32>, vector<128x128xf32> -> vector<128x128xf32>
      %mul3A_67 = arith.mulf %get3A_58, %get3A_58 : vector<128x8xf32>
      %reduce_sum3A = arith.constant dense<0.000000e+00> : vector<128xf32>
      %reduce_sum3A_68 = vector.multi_reduction <add>, %mul3A_67, %reduce_sum3A [1] : vector<128x8xf32> to vector<128xf32>
      %broadcast_in_dim3A = vector.shape_cast %reduce_sum3A_68 : vector<128xf32> to vector<128x1xf32>
      %broadcast_in_dim3A_69 = arith.constant 1.000000e+00 : f32
      %broadcast_in_dim3A_70 = vector.broadcast %broadcast_in_dim3A_69 : f32 to vector<1x8xf32>
      %mul3A_71 = arith.mulf %get3A_58, %get3A_58 : vector<128x8xf32>
      %dot_general3A_72 = arith.constant dense<0.000000e+00> : vector<1x128xf32>
      %dot_general3A_73 = tpu.matmul %broadcast_in_dim3A_70, %mul3A_71, %dot_general3A_72 {dimension_numbers = #tpu.dot_dimension_numbers<[1], [1], [0], [0], [0, 0, 1, 0], [], []>, transpose_lhs_hint = false} : vector<1x8xf32>, vector<128x8xf32>, vector<1x128xf32> -> vector<1x128xf32>
      %add3A_74 = vector.broadcast %broadcast_in_dim3A : vector<128x1xf32> to vector<128x128xf32>
      %add3A_75 = vector.broadcast %dot_general3A_73 : vector<1x128xf32> to vector<128x128xf32>
      %add3A_76 = arith.addf %add3A_74, %add3A_75 : vector<128x128xf32>
      %mul3A_77 = arith.constant 2.000000e+00 : f32
      %mul3A_78 = vector.broadcast %mul3A_77 : f32 to vector<128x128xf32>
      %mul3A_79 = arith.mulf %mul3A_78, %dot_general3A_66 : vector<128x128xf32>
      %sub3A = arith.subf %add3A_76, %mul3A_79 : vector<128x128xf32>
      %max3A = arith.constant 0.000000e+00 : f32
      %max3A_80 = vector.broadcast %max3A : f32 to vector<128x128xf32>
      %max3A_81 = arith.maximumf %sub3A, %max3A_80 : vector<128x128xf32>
      %add3A_82 = arith.constant 9.99999996E-13 : f32
      %add3A_83 = vector.broadcast %add3A_82 : f32 to vector<128x128xf32>
      %add3A_84 = arith.addf %max3A_81, %add3A_83 : vector<128x128xf32>
      %sqrt3A = math.sqrt %add3A_84 : vector<128x128xf32>
      %dot_general3A_85 = arith.constant dense<0.000000e+00> : vector<128x128xf32>
      %dot_general3A_86 = tpu.matmul %get3A_64, %get3A_64, %dot_general3A_85 {dimension_numbers = #tpu.dot_dimension_numbers<[1], [1], [0], [0], [0, 0, 1, 0], [], []>, transpose_lhs_hint = false} : vector<128x8xf32>, vector<128x8xf32>, vector<128x128xf32> -> vector<128x128xf32>
      %mul3A_87 = arith.mulf %get3A_64, %get3A_64 : vector<128x8xf32>
      %reduce_sum3A_88 = arith.constant dense<0.000000e+00> : vector<128xf32>
      %reduce_sum3A_89 = vector.multi_reduction <add>, %mul3A_87, %reduce_sum3A_88 [1] : vector<128x8xf32> to vector<128xf32>
      %broadcast_in_dim3A_90 = vector.shape_cast %reduce_sum3A_89 : vector<128xf32> to vector<128x1xf32>
      %broadcast_in_dim3A_91 = arith.constant 1.000000e+00 : f32
      %broadcast_in_dim3A_92 = vector.broadcast %broadcast_in_dim3A_91 : f32 to vector<1x8xf32>
      %mul3A_93 = arith.mulf %get3A_64, %get3A_64 : vector<128x8xf32>
      %dot_general3A_94 = arith.constant dense<0.000000e+00> : vector<1x128xf32>
      %dot_general3A_95 = tpu.matmul %broadcast_in_dim3A_92, %mul3A_93, %dot_general3A_94 {dimension_numbers = #tpu.dot_dimension_numbers<[1], [1], [0], [0], [0, 0, 1, 0], [], []>, transpose_lhs_hint = false} : vector<1x8xf32>, vector<128x8xf32>, vector<1x128xf32> -> vector<1x128xf32>
      %add3A_96 = vector.broadcast %broadcast_in_dim3A_90 : vector<128x1xf32> to vector<128x128xf32>
      %add3A_97 = vector.broadcast %dot_general3A_95 : vector<1x128xf32> to vector<128x128xf32>
      %add3A_98 = arith.addf %add3A_96, %add3A_97 : vector<128x128xf32>
      %mul3A_99 = arith.constant 2.000000e+00 : f32
      %mul3A_100 = vector.broadcast %mul3A_99 : f32 to vector<128x128xf32>
      %mul3A_101 = arith.mulf %mul3A_100, %dot_general3A_86 : vector<128x128xf32>
      %sub3A_102 = arith.subf %add3A_98, %mul3A_101 : vector<128x128xf32>
      %max3A_103 = arith.constant 0.000000e+00 : f32
      %max3A_104 = vector.broadcast %max3A_103 : f32 to vector<128x128xf32>
      %max3A_105 = arith.maximumf %sub3A_102, %max3A_104 : vector<128x128xf32>
      %add3A_106 = arith.constant 9.99999996E-13 : f32
      %add3A_107 = vector.broadcast %add3A_106 : f32 to vector<128x128xf32>
      %add3A_108 = arith.addf %max3A_105, %add3A_107 : vector<128x128xf32>
      %sqrt3A_109 = math.sqrt %add3A_108 : vector<128x128xf32>
      %iota3A = tpu.iota {dimensions = array<i32: 0>} : vector<128x128xi32>
      %iota3A_110 = tpu.iota {dimensions = array<i32: 1>} : vector<128x128xi32>
      %gt3A = arith.cmpi sgt, %iota3A_110, %iota3A : vector<128x128xi32>
      %select_n3A = arith.select %gt3A, %sqrt3A, %sqrt3A_109 : vector<128x128xi1>, vector<128x128xf32>
      %lt3A = arith.constant 5.000000e+00 : f32
      %lt3A_111 = vector.broadcast %lt3A : f32 to vector<128x128xf32>
      %lt3A_112 = arith.cmpf olt, %select_n3A, %lt3A_111 : vector<128x128xf32>
      %mul3A_113 = arith.constant 0.628318548 : f32
      %mul3A_114 = vector.broadcast %mul3A_113 : f32 to vector<128x128xf32>
      %mul3A_115 = arith.mulf %select_n3A, %mul3A_114 : vector<128x128xf32>
      %cos3A = math.cos %mul3A_115 : vector<128x128xf32>
      %add3A_116 = arith.constant 1.000000e+00 : f32
      %add3A_117 = vector.broadcast %add3A_116 : f32 to vector<128x128xf32>
      %add3A_118 = arith.addf %cos3A, %add3A_117 : vector<128x128xf32>
      %mul3A_119 = arith.constant 5.000000e-01 : f32
      %mul3A_120 = vector.broadcast %mul3A_119 : f32 to vector<128x128xf32>
      %mul3A_121 = arith.mulf %mul3A_120, %add3A_118 : vector<128x128xf32>
      %jit3A = arith.constant 0.000000e+00 : f32
      %broadcast_in_dim3A_122 = vector.broadcast %jit3A : f32 to vector<128x128xf32>
      %select_n3A_123 = arith.select %lt3A_112, %mul3A_121, %broadcast_in_dim3A_122 : vector<128x128xi1>, vector<128x128xf32>
      %gt3A_124 = arith.cmpi sgt, %iota3A_110, %iota3A : vector<128x128xi32>
      %jit3A_125 = arith.constant 0.000000e+00 : f32
      %broadcast_in_dim3A_126 = vector.broadcast %jit3A_125 : f32 to vector<128x128xf32>
      %select_n3A_127 = arith.select %gt3A_124, %select_n3A_123, %broadcast_in_dim3A_126 : vector<128x128xi1>, vector<128x128xf32>
      %lt3A_128 = arith.cmpi slt, %iota3A_110, %iota3A : vector<128x128xi32>
      %jit3A_129 = arith.constant 0.000000e+00 : f32
      %broadcast_in_dim3A_130 = vector.broadcast %jit3A_129 : f32 to vector<128x128xf32>
      %select_n3A_131 = arith.select %lt3A_128, %select_n3A_123, %broadcast_in_dim3A_130 : vector<128x128xi1>, vector<128x128xf32>
      %mul3A_132 = arith.constant 2.68700576 : f32
      %mul3A_133 = vector.broadcast %mul3A_132 : f32 to vector<128x128xf32>
      %mul3A_134 = arith.mulf %select_n3A, %mul3A_133 : vector<128x128xf32>
      %reshape3A = vector.shape_cast %mul3A_134 : vector<128x128xf32> to vector<128x1x128xf32>
      %sub3A_135 = vector.broadcast %reshape3A : vector<128x1x128xf32> to vector<128x24x128xf32>
      %sub3A_136 = vector.broadcast %get3A_2 : vector<1x24x1xf32> to vector<128x24x128xf32>
      %sub3A_137 = arith.subf %sub3A_135, %sub3A_136 : vector<128x24x128xf32>
      %mul3A_138 = arith.mulf %sub3A_137, %sub3A_137 : vector<128x24x128xf32>
      %neg3A = arith.constant 0.000000e+00 : f32
      %neg3A_139 = vector.broadcast %neg3A : f32 to vector<128x24x128xf32>
      %neg3A_140 = arith.subf %neg3A_139, %mul3A_138 : vector<128x24x128xf32>
      %exp3A = math.exp %neg3A_140 : vector<128x24x128xf32>
      %broadcast_in_dim3A_141 = vector.shape_cast %get3A_7 : vector<24x128xf32> to vector<1x24x128xf32>
      %broadcast_in_dim3A_142 = vector.shape_cast %broadcast_in_dim3A_141 : vector<1x24x128xf32> to vector<1x24x128xf32>
      %broadcast_in_dim3A_143 = vector.broadcast %broadcast_in_dim3A_142 : vector<1x24x128xf32> to vector<128x24x128xf32>
      %dot_general3A_144 = arith.constant dense<0.000000e+00> : vector<128x128x128xf32>
      %dot_general3A_145 = tpu.matmul %exp3A, %broadcast_in_dim3A_143, %dot_general3A_144 {dimension_numbers = #tpu.dot_dimension_numbers<[1], [1], [2], [2], [0, 0, 0, 2, 1, 2], [0], [0]>, transpose_lhs_hint = false} : vector<128x24x128xf32>, vector<128x24x128xf32>, vector<128x128x128xf32> -> vector<128x128x128xf32>
      %reshape3A_146 = vector.shape_cast %dot_general3A_145 : vector<128x128x128xf32> to vector<16384x128xf32>
      %add3A_147 = vector.broadcast %get3A_12 : vector<1x128xf32> to vector<16384x128xf32>
      %add3A_148 = arith.addf %reshape3A_146, %add3A_147 : vector<16384x128xf32>
      %min3A = arith.constant 4.000000e+01 : f32
      %min3A_149 = vector.broadcast %min3A : f32 to vector<16384x128xf32>
      %min3A_150 = arith.minimumf %add3A_148, %min3A_149 : vector<16384x128xf32>
      %exp3A_151 = math.exp %min3A_150 : vector<16384x128xf32>
      %add3A_152 = arith.constant 1.000000e+00 : f32
      %add3A_153 = vector.broadcast %add3A_152 : f32 to vector<16384x128xf32>
      %add3A_154 = arith.addf %add3A_153, %exp3A_151 : vector<16384x128xf32>
      %log3A = math.log %add3A_154 : vector<16384x128xf32>
      %sub3A_155 = arith.constant 0.693147182 : f32
      %sub3A_156 = vector.broadcast %sub3A_155 : f32 to vector<16384x128xf32>
      %sub3A_157 = arith.subf %log3A, %sub3A_156 : vector<16384x128xf32>
      %dot_general3A_158 = arith.constant dense<0.000000e+00> : vector<16384x128xf32>
      %dot_general3A_159 = tpu.matmul %sub3A_157, %get3A_17, %dot_general3A_158 {dimension_numbers = #tpu.dot_dimension_numbers<[1], [0], [0], [1], [0, 0, 1, 1], [], []>, transpose_lhs_hint = false} : vector<16384x128xf32>, vector<128x128xf32>, vector<16384x128xf32> -> vector<16384x128xf32>
      %add3A_160 = vector.broadcast %get3A_22 : vector<1x128xf32> to vector<16384x128xf32>
      %add3A_161 = arith.addf %dot_general3A_159, %add3A_160 : vector<16384x128xf32>
      %reshape3A_162 = vector.shape_cast %add3A_161 : vector<16384x128xf32> to vector<128x128x128xf32>
      %get3A_163 = arith.constant 0 : index
      %get3A_164 = arith.constant 0 : index
      %get3A_165 = vector.load %arg18[%get3A_163, %get3A_164] : memref<256x128xf32, #tpu.memory_space<vmem>>, vector<128x128xf32>
      %get3A_166 = arith.constant 128 : index
      %get3A_167 = arith.constant 0 : index
      %get3A_168 = vector.load %arg18[%get3A_166, %get3A_167] : memref<256x128xf32, #tpu.memory_space<vmem>>, vector<128x128xf32>
      %broadcast_in_dim3A_169 = vector.shape_cast %get3A_165 : vector<128x128xf32> to vector<1x128x128xf32>
      %mul3A_170 = vector.broadcast %broadcast_in_dim3A_169 : vector<1x128x128xf32> to vector<128x128x128xf32>
      %mul3A_171 = arith.mulf %reshape3A_162, %mul3A_170 : vector<128x128x128xf32>
      %dot_general3A_172 = arith.constant dense<0.000000e+00> : vector<128x128xf32>
      %dot_general3A_173 = tpu.matmul %select_n3A_127, %mul3A_171, %dot_general3A_172 {dimension_numbers = #tpu.dot_dimension_numbers<[1], [1], [], [2], [0, 0, 1, 2], [0], [0]>, transpose_lhs_hint = false} : vector<128x128xf32>, vector<128x128x128xf32>, vector<128x128xf32> -> vector<128x128xf32>
      %broadcast_in_dim3A_174 = vector.shape_cast %select_n3A_131 : vector<128x128xf32> to vector<128x128x1xf32>
      %broadcast_in_dim3A_175 = vector.shape_cast %get3A_168 : vector<128x128xf32> to vector<128x1x128xf32>
      %mul3A_176 = vector.broadcast %broadcast_in_dim3A_174 : vector<128x128x1xf32> to vector<128x128x128xf32>
      %mul3A_177 = vector.broadcast %broadcast_in_dim3A_175 : vector<128x1x128xf32> to vector<128x128x128xf32>
      %mul3A_178 = arith.mulf %mul3A_176, %mul3A_177 : vector<128x128x128xf32>
      %mul3A_179 = arith.mulf %reshape3A_162, %mul3A_178 : vector<128x128x128xf32>
      %reduce_sum3A_180 = arith.constant dense<0.000000e+00> : vector<128x128xf32>
      %reduce_sum3A_181 = vector.multi_reduction <add>, %mul3A_179, %reduce_sum3A_180 [0] : vector<128x128x128xf32> to vector<128x128xf32>
      %swap3A_182 = arith.constant 0 : index
      %swap3A_183 = arith.constant 0 : index
      %swap3A_184 = vector.load %arg17[%swap3A_182, %swap3A_183] : memref<256x128xf32, #tpu.memory_space<vmem>>, vector<128x128xf32>
      tpu.vector_store %arg17[%swap3A_182, %swap3A_183], %dot_general3A_173 {strides = array<i32>} : memref<256x128xf32, #tpu.memory_space<vmem>>, vector<128x128xf32>,
      %swap3A_185 = arith.constant 128 : index
      %swap3A_186 = arith.constant 0 : index
      %swap3A_187 = vector.load %arg17[%swap3A_185, %swap3A_186] : memref<256x128xf32, #tpu.memory_space<vmem>>, vector<128x128xf32>
      tpu.vector_store %arg17[%swap3A_185, %swap3A_186], %reduce_sum3A_181 {strides = array<i32>} : memref<256x128xf32, #tpu.memory_space<vmem>>, vector<128x128xf32>,
    } else {
    }
    %eq3A_26 = arith.constant 1 : i32
    %eq3A_27 = arith.cmpi eq, %arg2, %eq3A_26 : i32
    %convert_element_type3A_28 = arith.extui %eq3A_27 : i1 to i32
    %cond3A_29 = arith.constant 0 : i32
    %cond3A_30 = arith.cmpi ne, %convert_element_type3A_28, %cond3A_29 : i32
    scf.if %cond3A_30 {
      %get3A_31 = arith.constant 0 : index
      %get3A_32 = arith.constant 0 : index
      %get3A_33 = arith.constant 0 : index
      %get3A_34 = arith.constant 0 : index
      %get3A_35 = vector.load %arg4[%get3A_31, %get3A_32, %get3A_33, %get3A_34] : memref<1x2x128x8xf32, #tpu.memory_space<vmem>>, vector<1x1x128x8xf32>
      %get3A_36 = vector.shape_cast %get3A_35 : vector<1x1x128x8xf32> to vector<128x8xf32>
      %get3A_37 = arith.constant 0 : index
      %get3A_38 = arith.constant 1 : index
      %get3A_39 = arith.constant 0 : index
      %get3A_40 = arith.constant 0 : index
      %get3A_41 = vector.load %arg4[%get3A_37, %get3A_38, %get3A_39, %get3A_40] : memref<1x2x128x8xf32, #tpu.memory_space<vmem>>, vector<1x1x128x8xf32>
      %get3A_42 = vector.shape_cast %get3A_41 : vector<1x1x128x8xf32> to vector<128x8xf32>
      %dot_general3A = arith.constant dense<0.000000e+00> : vector<128x128xf32>
      %dot_general3A_43 = tpu.matmul %get3A_36, %get3A_42, %dot_general3A {dimension_numbers = #tpu.dot_dimension_numbers<[1], [1], [0], [0], [0, 0, 1, 0], [], []>, transpose_lhs_hint = false} : vector<128x8xf32>, vector<128x8xf32>, vector<128x128xf32> -> vector<128x128xf32>
      %mul3A_44 = arith.mulf %get3A_36, %get3A_36 : vector<128x8xf32>
      %reduce_sum3A = arith.constant dense<0.000000e+00> : vector<128xf32>
      %reduce_sum3A_45 = vector.multi_reduction <add>, %mul3A_44, %reduce_sum3A [1] : vector<128x8xf32> to vector<128xf32>
      %broadcast_in_dim3A = vector.shape_cast %reduce_sum3A_45 : vector<128xf32> to vector<128x1xf32>
      %broadcast_in_dim3A_46 = arith.constant 1.000000e+00 : f32
      %broadcast_in_dim3A_47 = vector.broadcast %broadcast_in_dim3A_46 : f32 to vector<1x8xf32>
      %mul3A_48 = arith.mulf %get3A_42, %get3A_42 : vector<128x8xf32>
      %dot_general3A_49 = arith.constant dense<0.000000e+00> : vector<1x128xf32>
      %dot_general3A_50 = tpu.matmul %broadcast_in_dim3A_47, %mul3A_48, %dot_general3A_49 {dimension_numbers = #tpu.dot_dimension_numbers<[1], [1], [0], [0], [0, 0, 1, 0], [], []>, transpose_lhs_hint = false} : vector<1x8xf32>, vector<128x8xf32>, vector<1x128xf32> -> vector<1x128xf32>
      %add3A = vector.broadcast %broadcast_in_dim3A : vector<128x1xf32> to vector<128x128xf32>
      %add3A_51 = vector.broadcast %dot_general3A_50 : vector<1x128xf32> to vector<128x128xf32>
      %add3A_52 = arith.addf %add3A, %add3A_51 : vector<128x128xf32>
      %mul3A_53 = arith.constant 2.000000e+00 : f32
      %mul3A_54 = vector.broadcast %mul3A_53 : f32 to vector<128x128xf32>
      %mul3A_55 = arith.mulf %mul3A_54, %dot_general3A_43 : vector<128x128xf32>
      %sub3A = arith.subf %add3A_52, %mul3A_55 : vector<128x128xf32>
      %max3A = arith.constant 0.000000e+00 : f32
      %max3A_56 = vector.broadcast %max3A : f32 to vector<128x128xf32>
      %max3A_57 = arith.maximumf %sub3A, %max3A_56 : vector<128x128xf32>
      %add3A_58 = arith.constant 9.99999996E-13 : f32
      %add3A_59 = vector.broadcast %add3A_58 : f32 to vector<128x128xf32>
      %add3A_60 = arith.addf %max3A_57, %add3A_59 : vector<128x128xf32>
      %sqrt3A = math.sqrt %add3A_60 : vector<128x128xf32>
      %lt3A = arith.constant 5.000000e+00 : f32
      %lt3A_61 = vector.broadcast %lt3A : f32 to vector<128x128xf32>
      %lt3A_62 = arith.cmpf olt, %sqrt3A, %lt3A_61 : vector<128x128xf32>
      %mul3A_63 = arith.constant 0.628318548 : f32
      %mul3A_64 = vector.broadcast %mul3A_63 : f32 to vector<128x128xf32>
      %mul3A_65 = arith.mulf %sqrt3A, %mul3A_64 : vector<128x128xf32>
      %cos3A = math.cos %mul3A_65 : vector<128x128xf32>
      %add3A_66 = arith.constant 1.000000e+00 : f32
      %add3A_67 = vector.broadcast %add3A_66 : f32 to vector<128x128xf32>
      %add3A_68 = arith.addf %cos3A, %add3A_67 : vector<128x128xf32>
      %mul3A_69 = arith.constant 5.000000e-01 : f32
      %mul3A_70 = vector.broadcast %mul3A_69 : f32 to vector<128x128xf32>
      %mul3A_71 = arith.mulf %mul3A_70, %add3A_68 : vector<128x128xf32>
      %jit3A = arith.constant 0.000000e+00 : f32
      %broadcast_in_dim3A_72 = vector.broadcast %jit3A : f32 to vector<128x128xf32>
      %select_n3A = arith.select %lt3A_62, %mul3A_71, %broadcast_in_dim3A_72 : vector<128x128xi1>, vector<128x128xf32>
      %mul3A_73 = arith.constant 2.68700576 : f32
      %mul3A_74 = vector.broadcast %mul3A_73 : f32 to vector<128x128xf32>
      %mul3A_75 = arith.mulf %sqrt3A, %mul3A_74 : vector<128x128xf32>
      %reshape3A = vector.shape_cast %mul3A_75 : vector<128x128xf32> to vector<128x1x128xf32>
      %sub3A_76 = vector.broadcast %reshape3A : vector<128x1x128xf32> to vector<128x24x128xf32>
      %sub3A_77 = vector.broadcast %get3A_2 : vector<1x24x1xf32> to vector<128x24x128xf32>
      %sub3A_78 = arith.subf %sub3A_76, %sub3A_77 : vector<128x24x128xf32>
      %mul3A_79 = arith.mulf %sub3A_78, %sub3A_78 : vector<128x24x128xf32>
      %neg3A = arith.constant 0.000000e+00 : f32
      %neg3A_80 = vector.broadcast %neg3A : f32 to vector<128x24x128xf32>
      %neg3A_81 = arith.subf %neg3A_80, %mul3A_79 : vector<128x24x128xf32>
      %exp3A = math.exp %neg3A_81 : vector<128x24x128xf32>
      %broadcast_in_dim3A_82 = vector.shape_cast %get3A_7 : vector<24x128xf32> to vector<1x24x128xf32>
      %broadcast_in_dim3A_83 = vector.shape_cast %broadcast_in_dim3A_82 : vector<1x24x128xf32> to vector<1x24x128xf32>
      %broadcast_in_dim3A_84 = vector.broadcast %broadcast_in_dim3A_83 : vector<1x24x128xf32> to vector<128x24x128xf32>
      %dot_general3A_85 = arith.constant dense<0.000000e+00> : vector<128x128x128xf32>
      %dot_general3A_86 = tpu.matmul %exp3A, %broadcast_in_dim3A_84, %dot_general3A_85 {dimension_numbers = #tpu.dot_dimension_numbers<[1], [1], [2], [2], [0, 0, 0, 2, 1, 2], [0], [0]>, transpose_lhs_hint = false} : vector<128x24x128xf32>, vector<128x24x128xf32>, vector<128x128x128xf32> -> vector<128x128x128xf32>
      %reshape3A_87 = vector.shape_cast %dot_general3A_86 : vector<128x128x128xf32> to vector<16384x128xf32>
      %add3A_88 = vector.broadcast %get3A_12 : vector<1x128xf32> to vector<16384x128xf32>
      %add3A_89 = arith.addf %reshape3A_87, %add3A_88 : vector<16384x128xf32>
      %min3A = arith.constant 4.000000e+01 : f32
      %min3A_90 = vector.broadcast %min3A : f32 to vector<16384x128xf32>
      %min3A_91 = arith.minimumf %add3A_89, %min3A_90 : vector<16384x128xf32>
      %exp3A_92 = math.exp %min3A_91 : vector<16384x128xf32>
      %add3A_93 = arith.constant 1.000000e+00 : f32
      %add3A_94 = vector.broadcast %add3A_93 : f32 to vector<16384x128xf32>
      %add3A_95 = arith.addf %add3A_94, %exp3A_92 : vector<16384x128xf32>
      %log3A = math.log %add3A_95 : vector<16384x128xf32>
      %sub3A_96 = arith.constant 0.693147182 : f32
      %sub3A_97 = vector.broadcast %sub3A_96 : f32 to vector<16384x128xf32>
      %sub3A_98 = arith.subf %log3A, %sub3A_97 : vector<16384x128xf32>
      %dot_general3A_99 = arith.constant dense<0.000000e+00> : vector<16384x128xf32>
      %dot_general3A_100 = tpu.matmul %sub3A_98, %get3A_17, %dot_general3A_99 {dimension_numbers = #tpu.dot_dimension_numbers<[1], [0], [0], [1], [0, 0, 1, 1], [], []>, transpose_lhs_hint = false} : vector<16384x128xf32>, vector<128x128xf32>, vector<16384x128xf32> -> vector<16384x128xf32>
      %add3A_101 = vector.broadcast %get3A_22 : vector<1x128xf32> to vector<16384x128xf32>
      %add3A_102 = arith.addf %dot_general3A_100, %add3A_101 : vector<16384x128xf32>
      %reshape3A_103 = vector.shape_cast %add3A_102 : vector<16384x128xf32> to vector<128x128x128xf32>
      %get3A_104 = arith.constant 128 : index
      %get3A_105 = arith.constant 0 : index
      %get3A_106 = vector.load %arg18[%get3A_104, %get3A_105] : memref<256x128xf32, #tpu.memory_space<vmem>>, vector<128x128xf32>
      %broadcast_in_dim3A_107 = vector.shape_cast %get3A_106 : vector<128x128xf32> to vector<1x128x128xf32>
      %mul3A_108 = vector.broadcast %broadcast_in_dim3A_107 : vector<1x128x128xf32> to vector<128x128x128xf32>
      %mul3A_109 = arith.mulf %reshape3A_103, %mul3A_108 : vector<128x128x128xf32>
      %dot_general3A_110 = arith.constant dense<0.000000e+00> : vector<128x128xf32>
      %dot_general3A_111 = tpu.matmul %select_n3A, %mul3A_109, %dot_general3A_110 {dimension_numbers = #tpu.dot_dimension_numbers<[1], [1], [], [2], [0, 0, 1, 2], [0], [0]>, transpose_lhs_hint = false} : vector<128x128xf32>, vector<128x128x128xf32>, vector<128x128xf32> -> vector<128x128xf32>
      %get3A_112 = arith.constant 0 : index
      %get3A_113 = arith.constant 0 : index
      %get3A_114 = vector.load %arg17[%get3A_112, %get3A_113] : memref<256x128xf32, #tpu.memory_space<vmem>>, vector<128x128xf32>
      %add3A_115 = arith.addf %get3A_114, %dot_general3A_111 : vector<128x128xf32>
      %swap3A = arith.constant 0 : index
      %swap3A_116 = arith.constant 0 : index
      %swap3A_117 = vector.load %arg17[%swap3A, %swap3A_116] : memref<256x128xf32, #tpu.memory_space<vmem>>, vector<128x128xf32>
      tpu.vector_store %arg17[%swap3A, %swap3A_116], %add3A_115 {strides = array<i32>} : memref<256x128xf32, #tpu.memory_space<vmem>>, vector<128x128xf32>,
      %get3A_118 = arith.constant 0 : index
      %get3A_119 = arith.constant 0 : index
      %get3A_120 = vector.load %arg17[%get3A_118, %get3A_119] : memref<256x128xf32, #tpu.memory_space<vmem>>, vector<256x128xf32>
      %get3A_121 = arith.constant 0 : index
      %get3A_122 = arith.constant 0 : index
      %get3A_123 = arith.constant 0 : index
      %get3A_124 = vector.load %arg12[%get3A_121, %get3A_122, %get3A_123] : memref<1x128x128xf32, #tpu.memory_space<vmem>>, vector<1x128x128xf32>
      %get3A_125 = vector.shape_cast %get3A_124 : vector<1x128x128xf32> to vector<128x128xf32>
      %dot_general3A_126 = arith.constant dense<0.000000e+00> : vector<256x128xf32>
      %dot_general3A_127 = tpu.matmul %get3A_120, %get3A_125, %dot_general3A_126 {dimension_numbers = #tpu.dot_dimension_numbers<[1], [0], [0], [1], [0, 0, 1, 1], [], []>, transpose_lhs_hint = false} : vector<256x128xf32>, vector<128x128xf32>, vector<256x128xf32> -> vector<256x128xf32>
      %get3A_128 = arith.constant 0 : index
      %get3A_129 = arith.constant 0 : index
      %get3A_130 = arith.constant 0 : index
      %get3A_131 = vector.load %arg13[%get3A_128, %get3A_129, %get3A_130] : memref<1x1x128xf32, #tpu.memory_space<vmem>>, vector<1x1x128xf32>
      %get3A_132 = vector.shape_cast %get3A_131 : vector<1x1x128xf32> to vector<1x128xf32>
      %add3A_133 = vector.broadcast %get3A_132 : vector<1x128xf32> to vector<256x128xf32>
      %add3A_134 = arith.addf %dot_general3A_127, %add3A_133 : vector<256x128xf32>
      %min3A_135 = arith.constant 4.000000e+01 : f32
      %min3A_136 = vector.broadcast %min3A_135 : f32 to vector<256x128xf32>
      %min3A_137 = arith.minimumf %add3A_134, %min3A_136 : vector<256x128xf32>
      %exp3A_138 = math.exp %min3A_137 : vector<256x128xf32>
      %add3A_139 = arith.constant 1.000000e+00 : f32
      %add3A_140 = vector.broadcast %add3A_139 : f32 to vector<256x128xf32>
      %add3A_141 = arith.addf %add3A_140, %exp3A_138 : vector<256x128xf32>
      %log3A_142 = math.log %add3A_141 : vector<256x128xf32>
      %sub3A_143 = arith.constant 0.693147182 : f32
      %sub3A_144 = vector.broadcast %sub3A_143 : f32 to vector<256x128xf32>
      %sub3A_145 = arith.subf %log3A_142, %sub3A_144 : vector<256x128xf32>
      %get3A_146 = arith.constant 0 : index
      %get3A_147 = arith.constant 0 : index
      %get3A_148 = arith.constant 0 : index
      %get3A_149 = vector.load %arg14[%get3A_146, %get3A_147, %get3A_148] : memref<1x128x128xf32, #tpu.memory_space<vmem>>, vector<1x128x128xf32>
      %get3A_150 = vector.shape_cast %get3A_149 : vector<1x128x128xf32> to vector<128x128xf32>
      %dot_general3A_151 = arith.constant dense<0.000000e+00> : vector<256x128xf32>
      %dot_general3A_152 = tpu.matmul %sub3A_145, %get3A_150, %dot_general3A_151 {dimension_numbers = #tpu.dot_dimension_numbers<[1], [0], [0], [1], [0, 0, 1, 1], [], []>, transpose_lhs_hint = false} : vector<256x128xf32>, vector<128x128xf32>, vector<256x128xf32> -> vector<256x128xf32>
      %get3A_153 = arith.constant 0 : index
      %get3A_154 = arith.constant 0 : index
      %get3A_155 = arith.constant 0 : index
      %get3A_156 = vector.load %arg15[%get3A_153, %get3A_154, %get3A_155] : memref<1x1x128xf32, #tpu.memory_space<vmem>>, vector<1x1x128xf32>
      %get3A_157 = vector.shape_cast %get3A_156 : vector<1x1x128xf32> to vector<1x128xf32>
      %add3A_158 = vector.broadcast %get3A_157 : vector<1x128xf32> to vector<256x128xf32>
      %add3A_159 = arith.addf %dot_general3A_152, %add3A_158 : vector<256x128xf32>
      %get3A_160 = arith.index_cast %mul3A_23 : i32 to index
      %get3A_161 = arith.constant 0 : index
      %get3A_162 = vector.load %arg19[%get3A_160, %get3A_161] : memref<2048x128xf32, #tpu.memory_space<vmem>>, vector<256x128xf32>
      %add3A_163 = arith.addf %get3A_162, %add3A_159 : vector<256x128xf32>
      %swap3A_164 = arith.index_cast %mul3A_23 : i32 to index
      %swap3A_165 = arith.constant 0 : index
      %swap3A_166 = vector.load %arg19[%swap3A_164, %swap3A_165] : memref<2048x128xf32, #tpu.memory_space<vmem>>, vector<256x128xf32>
      tpu.vector_store %arg19[%swap3A_164, %swap3A_165], %add3A_163 {strides = array<i32>} : memref<2048x128xf32, #tpu.memory_space<vmem>>, vector<256x128xf32>,
      %eq3A_167 = arith.constant 2 : i32
      %eq3A_168 = arith.cmpi eq, %arg0, %eq3A_167 : i32
      %convert_element_type3A_169 = arith.extui %eq3A_168 : i1 to i32
      %cond3A_170 = arith.constant 0 : i32
      %cond3A_171 = arith.cmpi ne, %convert_element_type3A_169, %cond3A_170 : i32
      scf.if %cond3A_171 {
        %swap3A_172 = arith.constant 0 : index
        %swap3A_173 = arith.constant 0 : index
        %swap3A_174 = arith.constant 0 : index
        %swap3A_175 = vector.load %arg16[%swap3A_172, %swap3A_173, %swap3A_174] : memref<1x256x128xf32, #tpu.memory_space<vmem>>, vector<1x256x128xf32>
        %swap3A_176 = vector.shape_cast %swap3A_175 : vector<1x256x128xf32> to vector<256x128xf32>
        %swap3A_177 = vector.shape_cast %add3A_163 : vector<256x128xf32> to vector<1x256x128xf32>
        tpu.vector_store %arg16[%swap3A_172, %swap3A_173, %swap3A_174], %swap3A_177 {strides = array<i32>} : memref<1x256x128xf32, #tpu.memory_space<vmem>>, vector<1x256x128xf32>,
      } else {
      }
    } else {
    }
    return
  }
  func.func @transform_0(%arg0: i32, %arg1: i32, %arg2: i32) -> (i32, i32, i32) {
    %c0_i32 = arith.constant 0 : i32
    %c0_i32_0 = arith.constant 0 : i32
    %c0_i32_1 = arith.constant 0 : i32
    return %arg1, %c0_i32, %c0_i32_0 : i32, i32, i32
  }
  func.func @transform_1(%arg0: i32, %arg1: i32, %arg2: i32) -> (i32, i32, i32, i32) {
    %c0_i32 = arith.constant 0 : i32
    %c0_i32_0 = arith.constant 0 : i32
    %c0_i32_1 = arith.constant 0 : i32
    %c0_i32_2 = arith.constant 0 : i32
    return %arg1, %c0_i32, %c0_i32_0, %c0_i32_1 : i32, i32, i32, i32
  }
  func.func @transform_2(%arg0: i32, %arg1: i32, %arg2: i32) -> (i32, i32, i32) {
    %c0_i32 = arith.constant 0 : i32
    %c0_i32_0 = arith.constant 0 : i32
    %c0_i32_1 = arith.constant 0 : i32
    %c0_i32_2 = arith.constant 0 : i32
    return %c0_i32, %c0_i32_0, %c0_i32_1 : i32, i32, i32
  }
  func.func @transform_3(%arg0: i32, %arg1: i32, %arg2: i32) -> (i32, i32, i32) {
    %c0_i32 = arith.constant 0 : i32
    %c0_i32_0 = arith.constant 0 : i32
    %c0_i32_1 = arith.constant 0 : i32
    return %arg0, %c0_i32, %c0_i32_0 : i32, i32, i32
  }
  func.func @transform_4(%arg0: i32, %arg1: i32, %arg2: i32) -> (i32, i32, i32) {
    %c0_i32 = arith.constant 0 : i32
    %c0_i32_0 = arith.constant 0 : i32
    %c0_i32_1 = arith.constant 0 : i32
    return %arg0, %c0_i32, %c0_i32_0 : i32, i32, i32
  }
  func.func @transform_5(%arg0: i32, %arg1: i32, %arg2: i32) -> (i32, i32, i32) {
    %c0_i32 = arith.constant 0 : i32
    %c0_i32_0 = arith.constant 0 : i32
    %c0_i32_1 = arith.constant 0 : i32
    return %arg0, %c0_i32, %c0_i32_0 : i32, i32, i32
  }
  func.func @transform_6(%arg0: i32, %arg1: i32, %arg2: i32) -> (i32, i32, i32) {
    %c0_i32 = arith.constant 0 : i32
    %c0_i32_0 = arith.constant 0 : i32
    %c0_i32_1 = arith.constant 0 : i32
    return %arg0, %c0_i32, %c0_i32_0 : i32, i32, i32
  }
  func.func @transform_7(%arg0: i32, %arg1: i32, %arg2: i32) -> (i32, i32, i32) {
    %c0_i32 = arith.constant 0 : i32
    %c0_i32_0 = arith.constant 0 : i32
    %c0_i32_1 = arith.constant 0 : i32
    return %arg0, %c0_i32, %c0_i32_0 : i32, i32, i32
  }
  func.func @transform_8(%arg0: i32, %arg1: i32, %arg2: i32) -> (i32, i32, i32) {
    %c0_i32 = arith.constant 0 : i32
    %c0_i32_0 = arith.constant 0 : i32
    %c0_i32_1 = arith.constant 0 : i32
    return %arg0, %c0_i32, %c0_i32_0 : i32, i32, i32
  }
  func.func @transform_9(%arg0: i32, %arg1: i32, %arg2: i32) -> (i32, i32, i32) {
    %c0_i32 = arith.constant 0 : i32
    %c0_i32_0 = arith.constant 0 : i32
    %c0_i32_1 = arith.constant 0 : i32
    return %arg0, %c0_i32, %c0_i32_0 : i32, i32, i32
  }
  func.func @transform_10(%arg0: i32, %arg1: i32, %arg2: i32) -> (i32, i32, i32) {
    %c0_i32 = arith.constant 0 : i32
    %c0_i32_0 = arith.constant 0 : i32
    %c0_i32_1 = arith.constant 0 : i32
    return %arg0, %c0_i32, %c0_i32_0 : i32, i32, i32
  }
  func.func @transform_11(%arg0: i32, %arg1: i32, %arg2: i32) -> (i32, i32, i32) {
    %c0_i32 = arith.constant 0 : i32
    %c0_i32_0 = arith.constant 0 : i32
    %c0_i32_1 = arith.constant 0 : i32
    return %arg0, %c0_i32, %c0_i32_0 : i32, i32, i32
  }
  func.func @transform_12(%arg0: i32, %arg1: i32, %arg2: i32) -> (i32, i32, i32) {
    %c0_i32 = arith.constant 0 : i32
    %c0_i32_0 = arith.constant 0 : i32
    %c0_i32_1 = arith.constant 0 : i32
    return %arg0, %c0_i32, %c0_i32_0 : i32, i32, i32
  }
  func.func @transform_13(%arg0: i32, %arg1: i32, %arg2: i32) -> (i32, i32, i32) {
    %c0_i32 = arith.constant 0 : i32
    %c0_i32_0 = arith.constant 0 : i32
    %c0_i32_1 = arith.constant 0 : i32
    return %arg1, %c0_i32, %c0_i32_0 : i32, i32, i32
  }
}

</mosaic_0001>

<sc_bundles>
// kernel: kernel.4.cloned.1.call-start
scs
__scs_entry_jumppad:
0x0: {  	(pc) =	sbr.rel $0x88, $3  }
0x1: {  	(tag) =	ssettag $0x0;
	lr =	simm.s32 $0x1  }
0x2: {  	[smem:$0x3F80] =	sst lr;
	_ =	strace $0xD0000000  }
0x3: {  	_ = 	snop  }
0x4: {  	_ = 	snop  }
0x5: {  	_ = 	snop  }
0x6: {  	_ = 	snop  }
0x7: {  	_ = 	snop  }
__scs_overlays_trampoline_lowered:
0x8: {  	[smem:$0x3F8F] =	sst s0  }
0x9: {  	[smem:$0x3F90] =	sst s1  }
0xa: {  	[smem:$0x3F91] =	sst s2  }
0xb: {  	[smem:$0x3F92] =	sst s3  }
0xc: {  	[smem:$0x3F93] =	sst s4  }
0xd: {  	[smem:$0x3F94] =	sst s5  }
0xe: {  	[smem:$0x3F95] =	sst s6  }
0xf: {  	[smem:$0x3F96] =	sst s7  }
0x10: {  	[smem:$0x3F97] =	sst s8  }
0x11: {  	[smem:$0x3F98] =	sst s9;
	s0 =	simm.s32 @!p0 $0x0  }
0x12: {  	s1 =	sld [smem:$0x3F7E];
	s0 =	simm.s32 @p0 $0x1  }
0x13: {  	[smem:$0x3F99] =	sst s0;
	s0 =	simm.s32 @!p1 $0x0  }
0x14: {  	s2 =	sld [smem:$0x3F7D];
	s0 =	simm.s32 @p1 $0x1  }
0x15: {  	[smem:$0x3F9A] =	sst s0;
	s0 =	simm.s32 @!p2 $0x0  }
0x16: {  	s3 =	sld [smem:$0x3FDB];
	s0 =	simm.s32 @p2 $0x1  }
0x17: {  	s4 =	simm.s32 $0x1BF5;
	[smem:$0x3F9C] =	sst s0  }
0x18: {  	s0 =	sld [smem:$0x3F7F];
	_ =	swait.ge [sflag:s4], $0x0  }
0x19: {  	s7 =	sld [smem:$0x3F80]  }
0x1a: {  	s8 =	sadd.s32 $0xFFFFE003, lr  }
0x1b: {  	s9 =	sadd.s32 $0xFFFFFEF7, lr;
	s5 =	simm.s32 $0xFFFFFFFF;
	p2 =	slt.u32 s8, $0xFFFFF086  }
0x1c: {  	p1 =	slt.u32 s9, $0xF7A;
	s5 =	simm.s32 @!p2 $0x0  }
0x1d: {  	s5 =	simm.s32 @p1 $0x1;
	p0 =	seq.s32 s7, s2  }
0x1e: {  	s7 =	smul.u32 @!p0 $0xF7A, s2;
	p2 =	seq.s32 @!p0 s5, $0x0  }
0x1f: {  	s9 =	smul.u32 $0xF7A, s1;
	s8 =	simm.s32 @!p0 $0x1BF5;
	p2 =	por !p2, p0  }
0x20: {  	[sflag:s8] =	ssyncset.s32 @!p0 $0xFFFFF086;
	s6 =	sadd.s32 @!p0 s3, s7;
	s7 =	simm.s32 @!p0 $0x108  }
0x21: {  	s3 =	sadd.s32 s3, s9;
	s6 =	sadd.s32 @!p0 $0x88, s6;
	s7 =	simm.s32 @p2 $0x1082  }
0x22: {  	[simem:s7], [sflag:s8] =	dma.local @!p0 [hbm:s6], $0xF7A  }
0x23: {  	s9 =	sor.u32 $0xD0000000, s2;
	s6 =	simm.s32 $0x108;
	_ =	swait.ge @!p0 [sflag:s8], $0x0  }
0x24: {  	s3 =	sadd.s32 $0x88, s3;
	s6 =	simm.s32 @!p1 $0x1082;
	[sflag:s4] =	ssyncset.s32 $0xFFFFF086  }
0x25: {  	[simem:s6], [sflag:s4] =	dma.local [hbm:s3], $0xF7A  }
0x26: {  	[smem:$0x3F80] =	sst s1;
	(tag) =	ssettag s2;
	_ =	strace s9  }
0x27: {  	s1 =	sld [smem:$0x3F90]  }
0x28: {  	s2 =	sld [smem:$0x3F91]  }
0x29: {  	s4 =	sld [smem:$0x3F93]  }
0x2a: {  	p0 =	seq.s32 s5, $0x0;
	s5 =	sld [smem:$0x3F94]  }
0x2b: {  	s6 =	sld [smem:$0x3F95]  }
0x2c: {  	s7 =	sld [smem:$0x3F96]  }
0x2d: {  	s3 =	simm.s32 $0x108;
	s8 =	sld [smem:$0x3F97]  }
0x2e: {  	s3 =	simm.s32 @!p0 $0x1082;
	s9 =	sld [smem:$0x3F98]  }
0x2f: {  	lr =	sadd.s32 s0, s3;
	s0 =	sld [smem:$0x3F8F]  }
0x30: {  	s3 =	sld [smem:$0x3F92]  }
0x31: {  	[smem:$0x3F9B] =	sst s10  }
0x32: {  	s10 =	sld [smem:$0x3F99];
	_ =	sdelay $0x3  }
0x33: {  	p0 =	seq.s32 s10, $0x1;
	s10 =	sld [smem:$0x3F9B];
	_ =	sdelay $0x3  }
0x34: {  	[smem:$0x3F9B] =	sst s10  }
0x35: {  	s10 =	sld [smem:$0x3F9A];
	_ =	sdelay $0x3  }
0x36: {  	p1 =	seq.s32 s10, $0x1;
	s10 =	sld [smem:$0x3F9B];
	_ =	sdelay $0x3  }
0x37: {  	[smem:$0x3F9B] =	sst s10  }
0x38: {  	s10 =	sld [smem:$0x3F9C]  }
0x39: {  	_ = 	snop;
	(pc) =	sbr.ind lr, $3  }
0x3a: {  	_ = 	snop  }
0x3b: {  	_ = 	snop  }
0x3c: {  	p2 =	seq.s32 s10, $0x1;
	s10 =	sld [smem:$0x3F9B]  }
0x3d: {  	_ =	shalt  }
0x3e: {  	_ =	shalt  }
0x3f: {  	_ =	shalt  }
0x40: {  	_ =	shalt  }
0x41: {  	_ =	shalt  }
0x42: {  	_ =	shalt  }
0x43: {  	_ =	shalt  }
0x44: {  	_ =	shalt  }
0x45: {  	_ =	shalt  }
0x46: {  	_ =	shalt  }
0x47: {  	_ =	shalt  }
0x48: {  	_ =	shalt  }
0x49: {  	_ =	shalt  }
0x4a: {  	_ =	shalt  }
0x4b: {  	_ =	shalt  }
0x4c: {  	_ =	shalt  }
0x4d: {  	_ =	shalt  }
0x4e: {  	_ =	shalt  }
0x4f: {  	_ =	shalt  }
0x50: {  	_ =	shalt  }
0x51: {  	_ =	shalt  }
0x52: {  	_ =	shalt  }
0x53: {  	_ =	shalt  }
0x54: {  	_ =	shalt  }
0x55: {  	_ =	shalt  }
0x56: {  	_ =	shalt  }
0x57: {  	_ =	shalt  }
0x58: {  	_ =	shalt  }
0x59: {  	_ =	shalt  }
0x5a: {  	_ =	shalt  }
0x5b: {  	_ =	shalt  }
0x5c: {  	_ =	shalt  }
0x5d: {  	_ =	shalt  }
0x5e: {  	_ =	shalt  }
0x5f: {  	_ =	shalt  }
0x60: {  	_ =	shalt  }
0x61: {  	_ =	shalt  }
0x62: {  	_ =	shalt  }
0x63: {  	_ =	shalt  }
0x64: {  	_ =	shalt  }
0x65: {  	_ =	shalt  }
0x66: {  	_ =	shalt  }
0x67: {  	_ =	shalt  }
0x68: {  	_ =	shalt  }
0x69: {  	_ =	shalt  }
0x6a: {  	_ =	shalt  }
0x6b: {  	_ =	shalt  }
0x6c: {  	_ =	shalt  }
0x6d: {  	_ =	shalt  }
0x6e: {  	_ =	shalt  }
0x6f: {  	_ =	shalt  }
0x70: {  	_ =	shalt  }
0x71: {  	_ =	shalt  }
0x72: {  	_ =	shalt  }
0x73: {  	_ =	shalt  }
0x74: {  	_ =	shalt  }
0x75: {  	_ =	shalt  }
0x76: {  	_ =	shalt  }
0x77: {  	_ =	shalt  }
0x78: {  	_ =	shalt  }
0x79: {  	_ =	shalt  }
0x7a: {  	_ =	shalt  }
0x7b: {  	_ =	shalt  }
0x7c: {  	_ =	shalt  }
0x7d: {  	_ =	shalt  }
0x7e: {  	_ =	shalt  }
0x7f: {  	_ =	shalt  }
0x80: {  	_ =	shalt  }
0x81: {  	_ =	shalt  }
0x82: {  	_ =	shalt  }
0x83: {  	_ =	shalt  }
0x84: {  	_ =	shalt  }
0x85: {  	_ =	shalt  }
0x86: {  	_ =	shalt  }
0x87: {  	_ =	shalt  }
.Lfunc_end0:
.L_simem_size_0:
called_computation_lowered:
.L_overlay_start_0:
0x88: {  	s2 =	sld [smem:$0x3FD9]  }
0x89: {  	s3 =	sld [smem:$0x3FFE];
	_ =	sdelay $0x1  }
0x8a: {  	s1 =	srdreg.scid  }
0x8b: {  	s0 =	sand.u32 $0x1, s1  }
0x8c: {  	s17 =	sshll.u32 s0, $0xA;
	s2 =	sadd.s32 s3, s2  }
0x8d: {  	s2 =	sadd.s32 s2, s17  }
0x8e: {  	[smem:$0x3FA7] =	sst s2  }
0x8f: {  	_ = 	snop  }
0x90: {  	s2 =	sld [smem:$0x3FC7]  }
0x91: {  	s18 =	sld [smem:$0x3FD0];
	(tm) =	ssettm $0x1  }
0x92: {  	s4 =	sld [smem:$0x3FFB];
	_ =	sdelay $0x3  }
0x93: {  	_ =	strace s4  }
0x94: {  	s4 =	sld [smem:$0x3FFC];
	_ =	sdelay $0x3  }
0x95: {  	_ =	strace s4  }
0x96: {  	s4 =	sld [smem:$0x3FFD];
	_ =	sdelay $0x3  }
0x97: {  	_ =	strace s4  }
0x98: {  	_ =	strace $0x8FFFFFFF  }
0x99: {  	s19 =	sld [smem:$0x3FDB];
	_ =	sdelay $0x1  }
0x9a: {  	s5 =	simm.s32 $_scs_section_size  }
0x9b: {  	s6 =	simm.s32 $_size__tile_overlayer_lowered;
	s7 =	simm.s32 $_tile_overlayer_lowered  }
0x9c: {  	s22 =	simm.s32 $0x1BFF;
	s21 =	sshll.u32 s7, $0x1;
	s4 =	sadd.s32 s5, s19  }
0x9d: {  	s8 =	simm.s32 $0x0;
	s20 =	sshll.u32 s6, $0x1;
	s6 =	sadd.s32 s21, s4  }
0x9e: {  	[timem:s8], [sflag:s22] =	dma.local [hbm:s6], s20  }
0x9f: {  	_ =	swait.ge [sflag:s22], s20  }
0xa0: {  	s5 =	ssub.s32 $0x0, s20;
	[sflag:s22] =	ssyncset.done $0x0  }
0xa1: {  	[sflag:s22] =	ssyncadd.s32 s5;
	_ =	sdelay $0x1  }
0xa2: {  	s23 =	simm.s32 $0x1B8B  }
0xa3: {  	_ =	swait.ge [sflag:s23], $0x1  }
0xa4: {  	[sflag:s23] =	ssyncset.done $0x0  }
0xa5: {  	s25 =	simm.s32 $0x1B8E;
	s24 =	sld [smem:$0x3FFE];
	[sflag:s23] =	ssyncadd.s32 $0xFFFFFFFF  }
0xa6: {  	s26 =	simm.s32 $execute0_lowered;
	[smem:$0x3FD2] =	sst s25  }
0xa7: {  	s6 =	sshll.u32 s26, $0x1;
	_ =	strace $0x80000046;
	[dreg:$0x1] =	wrdreg $0xFFFFFFFF  }
0xa8: {  	s28 =	simm.s32 $_size_execute0_lowered;
	s4 =	sadd.s32 s4, s6;
	[dreg:$0x0] =	wrdreg $0x0  }
0xa9: {  	s6 =	sshll.u32 s28, $0x1;
	[dreg:$0x2] =	wrdreg s4  }
0xaa: {  	[dreg:$0x3] =	wrdreg s6  }
0xab: {  	[dreg:$0x4] =	wrdreg $0xC0  }
0xac: {  	_ =	task [dreg:s8], $0x5FFFF  }
0xad: {  	[dreg:$0x1] =	wrdreg $0xFFFFFFFF  }
0xae: {  	[dreg:$0x0] =	wrdreg $0x60  }
0xaf: {  	[dreg:$0x2] =	wrdreg s2  }
0xb0: {  	[dreg:$0x3] =	wrdreg s24  }
0xb1: {  	[dreg:$0x4] =	wrdreg s18  }
0xb2: {  	[dreg:$0x5] =	wrdreg $0x9  }
0xb3: {  	_ =	task.clear_ibuf [dreg:s8], $0x6FFFF;
	_ =	strace $0x90000046  }
0xb4: {  	s29 =	simm.s32 $0x9;
	_ =	strace $0x80000048  }
0xb5: {  	_ =	swait.ge [sflag:s29], $0x1  }
0xb6: {  	[sflag:s29] =	ssyncadd.s32 $0xFFFFFFFF  }
0xb7: {  	_ =	strace $0x90000048  }
0xb8: {  	_ =	sfence  }
0xb9: {  	s30 =	sld [smem:$0x0];
	_ =	sdelay $0x2  }
0xba: {  	s31 =	sshll.u32 s1, $0xD;
	s1 =	sshrl.u32 s1, $0x2  }
0xbb: {  	s3 =	sand.u32 $0x4000, s31;
	s1 =	sadd.s32 s1, s30  }
0xbc: {  	s0 =	sor.u32 s3, s0;
	s1 =	sshll.u32 s1, $0x11  }
0xbd: {  	s0 =	sor.u32 s1, s0  }
0xbe: {  	s0 =	sadd.s32 $0x8F2B, s0  }
0xbf: {  	[sflag:s0] =	ssyncadd.remote.s32 $0x1  }
0xc0: {  	_ =	sfence.sel $0xFFFF  }
0xc1: {  	[dreg:$0x0] =	wrdreg $0xFFFFFFFF;
	(pc) =	sbr.abs _section_cstart, $3  }
0xc2: {  	[dreg:$0x1] =	wrdreg $0xFFFFFFFF  }
0xc3: {  	_ =	task.clear_ibuf [dreg:s8], $0x2FFFF;
	_ =	strace $0x9FFFFFFF  }
0xc4: {  	(tm) =	ssettm $0x7FFFFFFF  }
0xc5: {  	_ =	shalt  }
tec
execute0_lowered:
.L_overlay_start_1:
0x0: {  	(tag) =	ssettag $0x1  }
0x1: {  	s2 =	srdreg.scid  }
0x2: {  	s1 =	rddreg [dreg:$0x0];
	s0 =	stileid.u32;
	s6 =	sand.u32 $0x1, s2  }
0x3: {  	s4 =	rddreg [dreg:$0x1];
	s30 =	sshll.u32 s0, $0x7;
	s3 =	sshll.u32 s6, $0x6  }
0x4: {  	s9 =	rddreg [dreg:$0x2];
	s10 =	sor.u32 s3, s30  }
0x5: {  	s2 =	rddreg [dreg:$0x3];
	s3 =	simm.s32 $0x0;
	s5 =	sshrl.u32 s10, $0x3  }
0x6: {  	s11 =	ssub.s32 $0x2, s6;
	[smem:$0x7FF] =	sst s3;
	s4 =	sadd.s32 s5, s4  }
0x7: {  	_ =	strace $0x80000047;
	s5 =	sadd.s32 $0x4C00, s4;
	s4 =	simm.s32 $0x2  }
0x8: {  	[tilespmem:s3], [sflag:$0x2] =	stream.linear.gather [hbm4b:s5+s3], $0x40, $0x38;
	[tilespmem:$0x2080] =	vst v63  }
0x9: {  	s7 =	simm.s32 $0x80;
	s12 =	sshrl.u32 s11, $0x1;
	_ =	swait.ge [sflag:s4], $0x40  }
0xa: {  	s8 =	simm.s32 $0x1;
	s11 =	ssub.s32 s11, s12;
	[sflag:s4] =	ssyncset.done $0x0  }
0xb: {  	s6 =	simm.s32 $0x40;
	s31 =	smax.u32 s11, $0x1;
	[sflag:s4] =	ssyncadd.s32 $0xFFFFFFC0  }
0xc: {  	[tilespmem:s7], [sflag:$0x1] =	stream.indirect.gather [hbm4b:s1+s6], $0x80, s3, s6, $0xb8;
	[tilespmem:$0x2080] =	vst v63  }
0xd: {  	p0 =	sne.s32 s31, $0x1;
	_ =	swait.ge [sflag:s8], $0x2000  }
.Ltmp0:
0xe: {  	s10 =	sshll.u32 s10, $0x4;
	[sflag:s8] =	ssyncset.done $0x0;
	(pc) =	sbr.rel @!p0 .LBB2_2-.Ltmp0, $4  }
0xf: {  	s9 =	sadd.s32 s9, s10;
	[sflag:s8] =	ssyncadd.s32 $0xFFFFE000  }
0x10: {  	[hbm4b:s9+s3] =	stream.linear.scatter [tilespmem:s7], [sflag:$0x2], $0x2000, $0x38;
	[tilespmem:$0x2080] =	vst v63  }
0x11: {  	_ =	swait.ge [sflag:s4], $0x2000  }
0x12: {  	s10 =	sadd.s32 $0xFFFFFFFF, s31;
	[sflag:s4] =	ssyncset.done $0x0  }
.LBB2_1:
0x13: {  	p0 =	sne.s32 s10, $0x1;
	s10 =	sadd.s32 $0xFFFFFFFF, s10;
	[sflag:s4] =	ssyncadd.s32 $0xFFFFE000  }
0x14: {  	[tilespmem:s3], [sflag:$0x2] =	stream.linear.gather [hbm4b:s5+s3], $0x40, $0x38;
	[tilespmem:$0x2080] =	vst v63  }
0x15: {  	_ =	swait.ge [sflag:s4], $0x40  }
0x16: {  	[sflag:s4] =	ssyncset.done $0x0  }
0x17: {  	[sflag:s4] =	ssyncadd.s32 $0xFFFFFFC0  }
0x18: {  	[tilespmem:s7], [sflag:$0x1] =	stream.indirect.gather [hbm4b:s1+s6], $0x80, s3, s6, $0xb8;
	[tilespmem:$0x2080] =	vst v63  }
0x19: {  	_ =	swait.ge [sflag:s8], $0x2000  }
.Ltmp1:
0x1a: {  	[sflag:s8] =	ssyncset.done $0x0;
	(pc) =	sbr.rel @p0 .LBB2_1-.Ltmp1, $4  }
0x1b: {  	[sflag:s8] =	ssyncadd.s32 $0xFFFFE000  }
0x1c: {  	[hbm4b:s9+s3] =	stream.linear.scatter [tilespmem:s7], [sflag:$0x2], $0x2000, $0x38;
	[tilespmem:$0x2080] =	vst v63  }
0x1d: {  	_ =	swait.ge [sflag:s4], $0x2000  }
0x1e: {  	[sflag:s4] =	ssyncset.done $0x0  }
.LBB2_2:
0x1f: {  	[sflag:s4] =	ssyncadd.s32 $0xFFFFE000  }
0x20: {  	_ =	sfence.sel $0x180000  }
0x21: {  	[bflag:$0x0] =	sbarrier.arrive $0xFFFF  }
0x22: {  	p0 =	sne.s32 s0, $0x0;
	_ =	strace $0x90000047  }
0x23: {  	s0 =	sadd.s32 @!p0 $0x100000, s2;
	[bflag:$0x2] =	sbarrier.arrive $0xFFFF  }
0x24: {  	[sflag:s0] =	ssyncadd.tile.s32 @!p0 $0x1;
	_ =	shalt  }
.Lfunc_end2:
_tile_overlayer_lowered:
.L_overlay_start_2:
0x25: {  	(tag) =	ssettag $0x2  }
0x26: {  	s0 =	rddreg [dreg:$0x0];
	s2 =	stileid.u32  }
0x27: {  	s1 =	rddreg [dreg:$0x1];
	p0 =	sne.s32 s2, $0x0  }
0x28: {  	s3 =	rddreg [dreg:$0x2];
	[bflag:$0x3] =	sbarrier.arrive $0xFFFF;
	s2 =	simm.s32 @!p0 $0x1C02  }
0x29: {  	[timem:s3], [sflag:s2] =	dma.local @!p0 [hbm:s0], s1  }
0x2a: {  	s0 =	simm.s32 @!p0 $0x2  }
0x2b: {  	_ =	swait.ge @!p0 [sflag:s0], s1  }
0x2c: {  	s1 =	ssub.s32 @!p0 $0x0, s1;
	[sflag:s0] =	ssyncset.done @!p0 $0x0  }
0x2d: {  	[sflag:s0] =	ssyncadd.s32 @!p0 s1  }
0x2e: {  	[bflag:$0x3] =	sbarrier.arrive $0xFFFF  }
0x2f: {  	_ =	shalt  }

</sc_bundles>
